<compile_context>
chip_gen: v7x
topology: tpu7x:2x2x1
jax: 0.10.2.dev20260603
libtpu: 0.0.44.dev20260713+nightly
codegen_flags: <defaults>
</compile_context>

<pallas_src>
import functools

import jax
import jax.numpy as jnp
from jax import lax
from jax.experimental import pallas as pl
from jax.experimental.pallas import tpu as pltpu
from jax.experimental.pallas import tpu_sc as plsc

N_ATOMS = 320000
N_IN = 128
N_HIDDEN = 64
N_MOL = 10000


TILE_M = 8192
N_PAD = 327680
GRID_M = N_PAD // TILE_M


def _mlp_body(x_ref, w1_ref, b1_ref, w2t_ref, b2_ref, y_ref):
    i = pl.program_id(0)
    xt = x_ref[...]
    h = jnp.dot(xt, w1_ref[...], preferred_element_type=jnp.float32)
    h = h + b1_ref[...]
    h = h * (1.0 / (1.0 + jnp.exp(-h)))
    yrow = jax.lax.dot_general(
        w2t_ref[...], h, (((1,), (1,)), ((), ())),
        preferred_element_type=jnp.float32)
    yrow = yrow + b2_ref[...]
    g = i * TILE_M + jax.lax.broadcasted_iota(jnp.int32, (1, TILE_M), 1)
    yrow = jnp.where(g < N_ATOMS, yrow, 0.0)
    y_ref[...] = yrow.reshape(TILE_M)


def _mlp(x, W1, b1, W2, b2):
    return pl.pallas_call(
        _mlp_body,
        grid=(GRID_M,),
        in_specs=[
            pl.BlockSpec((TILE_M, N_IN), lambda i: (i, 0)),
            pl.BlockSpec((N_IN, N_HIDDEN), lambda i: (0, 0)),
            pl.BlockSpec((1, N_HIDDEN), lambda i: (0, 0)),
            pl.BlockSpec((1, N_HIDDEN), lambda i: (0, 0)),
            pl.BlockSpec((1, 1), lambda i: (0, 0)),
        ],
        out_specs=pl.BlockSpec((TILE_M,), lambda i: (i,)),
        out_shape=jax.ShapeDtypeStruct((N_PAD,), jnp.float32),
    )(x, W1, b1.reshape(1, N_HIDDEN), W2.reshape(1, N_HIDDEN),
      b2.reshape(1, 1))



NS = 16
ATOMS_W = N_ATOMS // NS
ACC = 10240
ACC_W = ACC // NS


def _segsum_sc(ids, y):
    mesh = plsc.VectorSubcoreMesh(
        core_axis_name="c", subcore_axis_name="s", num_cores=1)

    @functools.partial(
        pl.kernel,
        out_type=jax.ShapeDtypeStruct((ACC,), jnp.float32),
        mesh=mesh,
        scratch_types=[
            pltpu.VMEM((ATOMS_W,), jnp.int32),
            pltpu.VMEM((ATOMS_W,), jnp.float32),
            pltpu.VMEM((ACC_W,), jnp.float32),
            pltpu.VMEM_SHARED((ACC,), jnp.float32),
            pltpu.SemaphoreType.DMA,
        ],
    )
    def segsum(ids_hbm, y_hbm, out_hbm, idx_v, y_v, stage_v, acc_sh, sem):
        s = lax.axis_index("s")

        zeros16 = jnp.zeros((16,), jnp.float32)

        def zbody(i, carry):
            stage_v[pl.ds(i * 16, 16)] = zeros16
            return carry

        lax.fori_loop(0, ACC_W // 16, zbody, 0)
        pltpu.sync_copy(stage_v, acc_sh.at[pl.ds(s * ACC_W, ACC_W)])

        pltpu.sync_copy(ids_hbm.at[pl.ds(s * ATOMS_W, ATOMS_W)], idx_v)
        pltpu.sync_copy(y_hbm.at[pl.ds(s * ATOMS_W, ATOMS_W)], y_v)

        plsc.subcore_barrier()

        pltpu.async_copy(y_v, acc_sh.at[idx_v], sem, add=True).wait()

        plsc.subcore_barrier()

        pltpu.sync_copy(acc_sh.at[pl.ds(s * ACC_W, ACC_W)],
                        out_hbm.at[pl.ds(s * ACC_W, ACC_W)])

    return segsum(ids, y)


def kernel(x, segment_ids, W1, b1, W2, b2):
    y = _mlp(x, W1, b1, W2, b2)
    agg = _segsum_sc(segment_ids.astype(jnp.int32), y)
    return agg[:N_MOL]

# --- scband reference (transcript-rebuilt; emitter-appended) ---
"""Pipeline reference for scband-atomwise-42039139893974 (READ-ONLY COPY).

The authoritative reference and input builder live on the scoring server;
editing this copy changes nothing except your own understanding.
"""

import jax, jax.numpy as jnp
import numpy as np

N_ATOMS = 320000
N_IN = 128
N_HIDDEN = 64  # pyramidal: n_in // 2
N_OUT = 1
N_MOL = 10000


def setup_inputs(seed: int = 0) -> dict:
    key = jax.random.key(seed)
    k1, k2, k3, k4 = jax.random.split(key, 4)
    x = jax.random.normal(k1, (N_ATOMS, N_IN), dtype=jnp.float32)
    segment_ids = jnp.sort(jax.random.randint(k2, (N_ATOMS,), 0, N_MOL))
    # MLP params (pyramidal: 128 -> 64 -> 1, silu on hidden layer, linear output)
    W1 = jax.random.normal(k3, (N_IN, N_HIDDEN), dtype=jnp.float32) / np.sqrt(N_IN)
    b1 = jnp.zeros((N_HIDDEN,), dtype=jnp.float32)
    W2 = jax.random.normal(k4, (N_HIDDEN, N_OUT), dtype=jnp.float32) / np.sqrt(N_HIDDEN)
    b2 = jnp.zeros((N_OUT,), dtype=jnp.float32)
    return {"x": x, "segment_ids": segment_ids, "W1": W1, "b1": b1, "W2": W2, "b2": b2}


def reference(x, segment_ids, W1, b1, W2, b2):
    # outnet: pyramidal MLP with silu activation on hidden layer
    h = jax.nn.silu(x @ W1 + b1)          # [N_ATOMS, 64]
    y = h @ W2 + b2                        # [N_ATOMS, 1] per-atom contributions
    # scatter_add over molecule index (aggregation_mode='sum')
    agg = jax.ops.segment_sum(y, segment_ids, num_segments=N_MOL)  # [N_MOL, 1]
    return jnp.squeeze(agg)               # [N_MOL]

if __name__ == "__main__":
    import jax
    _d = setup_inputs()
    print(jax.jit(kernel)(*tuple(_d.values())))

</pallas_src>

<mosaic_0001>
#map = affine_map<(d0, d1) -> (0)>
module attributes {stable_mosaic.version = 14 : i64} {
  func.func @segsum(%arg0: i32, %arg1: i32, %arg2: memref<320000xi32, #tpu.memory_space<hbm>>, %arg3: memref<327680xf32, #tpu.memory_space<hbm>>, %arg4: memref<10240xf32, #tpu.memory_space<hbm>>, %arg5: memref<20000xi32, #tpu.memory_space<vmem>>, %arg6: memref<20000xf32, #tpu.memory_space<vmem>>, %arg7: memref<640xf32, #tpu.memory_space<vmem>>, %arg8: memref<10240xf32, #tpu.memory_space<vmem_shared>>, %arg9: memref<!tpu.dma_semaphore, #tpu.memory_space<semaphore_mem>>) attributes {dimension_semantics = [#tpu.dimension_semantics<core_parallel>, #tpu.dimension_semantics<subcore_parallel>], iteration_bounds = array<i64: 1, 16>, scalar_prefetch = 0 : i64, scratch_operands = 5 : i64, tpu.core_type = #tpu.core_type<sc_vector_subcore>, window_params = [{transform_indices = #map}, {transform_indices = #map}, {transform_indices = #map}]} {
    %broadcast_in_dim3A = arith.constant 0.000000e+00 : f32
    %broadcast_in_dim3A_0 = vector.broadcast %broadcast_in_dim3A : f32 to vector<16xf32>
    %scan3A = arith.constant 0 : i32
    %scan3A_1 = arith.constant 0 : i32
    %scan3A_2 = arith.constant 40 : i32
    %scan3A_3 = arith.addi %scan3A_1, %scan3A_2 : i32
    %scan3A_4 = arith.constant 1 : i32
    scf.for %scan3A_18 = %scan3A_1 to %scan3A_3 step %scan3A_4  : i32 {
      %mul3A_19 = arith.constant 16 : i32
      %mul3A_20 = arith.muli %scan3A_18, %mul3A_19 : i32
      %swap3A = arith.index_cast %mul3A_20 : i32 to index
      %swap3A_21 = tpu.vector_load %arg7[%swap3A] {strides = array<i32>} : memref<640xf32, #tpu.memory_space<vmem>>, vector<16xf32>,
      %swap3A_22 = vector.shape_cast %swap3A_21 : vector<16xf32> to vector<16xf32>
      %swap3A_23 = vector.shape_cast %broadcast_in_dim3A_0 : vector<16xf32> to vector<16xf32>
      tpu.vector_store %arg7[%swap3A], %swap3A_23 {strides = array<i32>} : memref<640xf32, #tpu.memory_space<vmem>>, vector<16xf32>,
    }
    %scan3A_5 = arith.constant 40 : i32
    %mul3A = arith.constant 640 : i32
    %mul3A_6 = arith.muli %arg1, %mul3A : i32
    "tpu.region"() ({
      %run_scoped3A = tpu.sem_alloc : memref<!tpu.dma_semaphore, #tpu.memory_space<semaphore_mem>>
      %dma_start3A_18 = tpu.memref_slice %arg8[%mul3A_6] : memref<10240xf32, #tpu.memory_space<vmem_shared>> -> memref<640xf32, #tpu.memory_space<vmem_shared>>
      %dma_start3A_19 = tpu.memref_slice %arg8[%mul3A_6] : memref<10240xf32, #tpu.memory_space<vmem_shared>> -> memref<640xf32, #tpu.memory_space<vmem_shared>>
      tpu.enqueue_dma source(%arg7 : memref<640xf32, #tpu.memory_space<vmem>>) target(%dma_start3A_19 : memref<640xf32, #tpu.memory_space<vmem_shared>>) target_semaphore(%run_scoped3A : memref<!tpu.dma_semaphore, #tpu.memory_space<semaphore_mem>>)
      %dma_wait3A_20 = tpu.memref_slice %arg8[%mul3A_6] : memref<10240xf32, #tpu.memory_space<vmem_shared>> -> memref<640xf32, #tpu.memory_space<vmem_shared>>
      %dma_wait3A_21 = tpu.memref_slice %arg8[%mul3A_6] : memref<10240xf32, #tpu.memory_space<vmem_shared>> -> memref<640xf32, #tpu.memory_space<vmem_shared>>
      tpu.wait_dma2 semaphore(%run_scoped3A : memref<!tpu.dma_semaphore, #tpu.memory_space<semaphore_mem>>) src(%arg7 : memref<640xf32, #tpu.memory_space<vmem>>) dst(%dma_wait3A_21 : memref<640xf32, #tpu.memory_space<vmem_shared>>)
      tpu.yield
    }) : () -> ()
    %mul3A_7 = arith.constant 20000 : i32
    %mul3A_8 = arith.muli %arg1, %mul3A_7 : i32
    "tpu.region"() ({
      %run_scoped3A = tpu.sem_alloc : memref<!tpu.dma_semaphore, #tpu.memory_space<semaphore_mem>>
      %dma_start3A_18 = tpu.memref_slice %arg2[%mul3A_8] : memref<320000xi32, #tpu.memory_space<hbm>> -> memref<20000xi32, #tpu.memory_space<hbm>>
      %dma_start3A_19 = tpu.memref_slice %arg2[%mul3A_8] : memref<320000xi32, #tpu.memory_space<hbm>> -> memref<20000xi32, #tpu.memory_space<hbm>>
      tpu.enqueue_dma source(%dma_start3A_19 : memref<20000xi32, #tpu.memory_space<hbm>>) target(%arg5 : memref<20000xi32, #tpu.memory_space<vmem>>) target_semaphore(%run_scoped3A : memref<!tpu.dma_semaphore, #tpu.memory_space<semaphore_mem>>)
      %dma_wait3A_20 = tpu.memref_slice %arg2[%mul3A_8] : memref<320000xi32, #tpu.memory_space<hbm>> -> memref<20000xi32, #tpu.memory_space<hbm>>
      %dma_wait3A_21 = tpu.memref_slice %arg2[%mul3A_8] : memref<320000xi32, #tpu.memory_space<hbm>> -> memref<20000xi32, #tpu.memory_space<hbm>>
      tpu.wait_dma2 semaphore(%run_scoped3A : memref<!tpu.dma_semaphore, #tpu.memory_space<semaphore_mem>>) src(%dma_wait3A_21 : memref<20000xi32, #tpu.memory_space<hbm>>) dst(%arg5 : memref<20000xi32, #tpu.memory_space<vmem>>)
      tpu.yield
    }) : () -> ()
    %mul3A_9 = arith.constant 20000 : i32
    %mul3A_10 = arith.muli %arg1, %mul3A_9 : i32
    "tpu.region"() ({
      %run_scoped3A = tpu.sem_alloc : memref<!tpu.dma_semaphore, #tpu.memory_space<semaphore_mem>>
      %dma_start3A_18 = tpu.memref_slice %arg3[%mul3A_10] : memref<327680xf32, #tpu.memory_space<hbm>> -> memref<20000xf32, #tpu.memory_space<hbm>>
      %dma_start3A_19 = tpu.memref_slice %arg3[%mul3A_10] : memref<327680xf32, #tpu.memory_space<hbm>> -> memref<20000xf32, #tpu.memory_space<hbm>>
      tpu.enqueue_dma source(%dma_start3A_19 : memref<20000xf32, #tpu.memory_space<hbm>>) target(%arg6 : memref<20000xf32, #tpu.memory_space<vmem>>) target_semaphore(%run_scoped3A : memref<!tpu.dma_semaphore, #tpu.memory_space<semaphore_mem>>)
      %dma_wait3A_20 = tpu.memref_slice %arg3[%mul3A_10] : memref<327680xf32, #tpu.memory_space<hbm>> -> memref<20000xf32, #tpu.memory_space<hbm>>
      %dma_wait3A_21 = tpu.memref_slice %arg3[%mul3A_10] : memref<327680xf32, #tpu.memory_space<hbm>> -> memref<20000xf32, #tpu.memory_space<hbm>>
      tpu.wait_dma2 semaphore(%run_scoped3A : memref<!tpu.dma_semaphore, #tpu.memory_space<semaphore_mem>>) src(%dma_wait3A_21 : memref<20000xf32, #tpu.memory_space<hbm>>) dst(%arg6 : memref<20000xf32, #tpu.memory_space<vmem>>)
      tpu.yield
    }) : () -> ()
    %barrier3A = arith.constant 0 : index
    tpu.barrier barrier_id(%barrier3A)
    %dma_start3A = arith.constant 0 : i32
    %dma_start3A_11 = tpu.memref_slice %arg8[%dma_start3A] : memref<10240xf32, #tpu.memory_space<vmem_shared>> -> memref<10240xf32, #tpu.memory_space<vmem_shared>>
    tpu.enqueue_indirect_dma source(%arg6 : memref<20000xf32, #tpu.memory_space<vmem>>) target(%dma_start3A_11 : memref<10240xf32, #tpu.memory_space<vmem_shared>>) offsets(%arg5 : memref<20000xi32, #tpu.memory_space<vmem>>) semaphore(%arg9 : memref<!tpu.dma_semaphore, #tpu.memory_space<semaphore_mem>>) {add = true}
    %dma_wait3A = arith.constant 0 : i32
    %dma_wait3A_12 = tpu.memref_slice %arg8[%dma_wait3A] : memref<10240xf32, #tpu.memory_space<vmem_shared>> -> memref<10240xf32, #tpu.memory_space<vmem_shared>>
    tpu.wait_indirect_dma semaphore(%arg9 : memref<!tpu.dma_semaphore, #tpu.memory_space<semaphore_mem>>) src(%arg6 : memref<20000xf32, #tpu.memory_space<vmem>>) dst(%dma_wait3A_12 : memref<10240xf32, #tpu.memory_space<vmem_shared>>)
    %barrier3A_13 = arith.constant 0 : index
    tpu.barrier barrier_id(%barrier3A_13)
    %mul3A_14 = arith.constant 640 : i32
    %mul3A_15 = arith.muli %arg1, %mul3A_14 : i32
    %mul3A_16 = arith.constant 640 : i32
    %mul3A_17 = arith.muli %arg1, %mul3A_16 : i32
    "tpu.region"() ({
      %run_scoped3A = tpu.sem_alloc : memref<!tpu.dma_semaphore, #tpu.memory_space<semaphore_mem>>
      %dma_start3A_18 = tpu.memref_slice %arg4[%mul3A_17] : memref<10240xf32, #tpu.memory_space<hbm>> -> memref<640xf32, #tpu.memory_space<hbm>>
      %dma_start3A_19 = tpu.memref_slice %arg8[%mul3A_15] : memref<10240xf32, #tpu.memory_space<vmem_shared>> -> memref<640xf32, #tpu.memory_space<vmem_shared>>
      tpu.enqueue_dma source(%dma_start3A_19 : memref<640xf32, #tpu.memory_space<vmem_shared>>) target(%dma_start3A_18 : memref<640xf32, #tpu.memory_space<hbm>>) target_semaphore(%run_scoped3A : memref<!tpu.dma_semaphore, #tpu.memory_space<semaphore_mem>>)
      %dma_wait3A_20 = tpu.memref_slice %arg4[%mul3A_17] : memref<10240xf32, #tpu.memory_space<hbm>> -> memref<640xf32, #tpu.memory_space<hbm>>
      %dma_wait3A_21 = tpu.memref_slice %arg8[%mul3A_15] : memref<10240xf32, #tpu.memory_space<vmem_shared>> -> memref<640xf32, #tpu.memory_space<vmem_shared>>
      tpu.wait_dma2 semaphore(%run_scoped3A : memref<!tpu.dma_semaphore, #tpu.memory_space<semaphore_mem>>) src(%dma_wait3A_21 : memref<640xf32, #tpu.memory_space<vmem_shared>>) dst(%dma_wait3A_20 : memref<640xf32, #tpu.memory_space<hbm>>)
      tpu.yield
    }) : () -> ()
    return
  }
}

module attributes {stable_mosaic.version = 14 : i64} {
  func.func @_mlp_body(%arg0: i32, %arg1: memref<8192x128xf32, #tpu.memory_space<vmem>>, %arg2: memref<128x64xf32, #tpu.memory_space<vmem>>, %arg3: memref<1x64xf32, #tpu.memory_space<vmem>>, %arg4: memref<1x64xf32, #tpu.memory_space<vmem>>, %arg5: memref<1x1xf32, #tpu.memory_space<vmem>>, %arg6: memref<8192xf32, #tpu.memory_space<vmem>>) attributes {dimension_semantics = [#tpu.dimension_semantics<arbitrary>], iteration_bounds = array<i64: 40>, scalar_prefetch = 0 : i64, scratch_operands = 0 : i64, tpu.core_type = #tpu.core_type<tc>, window_params = [{transform_indices = @transform_0, window_bounds = array<i64: 8192, 128>}, {pipeline_mode = #tpu.pipeline_mode<synchronous>, transform_indices = @transform_1, window_bounds = array<i64: 128, 64>}, {pipeline_mode = #tpu.pipeline_mode<synchronous>, transform_indices = @transform_2, window_bounds = array<i64: 1, 64>}, {pipeline_mode = #tpu.pipeline_mode<synchronous>, transform_indices = @transform_3, window_bounds = array<i64: 1, 64>}, {pipeline_mode = #tpu.pipeline_mode<synchronous>, transform_indices = @transform_4, window_bounds = array<i64: 1, 1>}, {transform_indices = @transform_5, window_bounds = array<i64: 8192>}]} {
    %get3A = arith.constant 0 : index
    %get3A_0 = arith.constant 0 : index
    %get3A_1 = vector.load %arg1[%get3A, %get3A_0] : memref<8192x128xf32, #tpu.memory_space<vmem>>, vector<8192x128xf32>
    %get3A_2 = arith.constant 0 : index
    %get3A_3 = arith.constant 0 : index
    %get3A_4 = vector.load %arg2[%get3A_2, %get3A_3] : memref<128x64xf32, #tpu.memory_space<vmem>>, vector<128x64xf32>
    %dot_general3A = arith.constant dense<0.000000e+00> : vector<8192x64xf32>
    %dot_general3A_5 = tpu.matmul %get3A_1, %get3A_4, %dot_general3A {dimension_numbers = #tpu.dot_dimension_numbers<[1], [0], [0], [1], [0, 0, 1, 1], [], []>, transpose_lhs_hint = false} : vector<8192x128xf32>, vector<128x64xf32>, vector<8192x64xf32> -> vector<8192x64xf32>
    %get3A_6 = arith.constant 0 : index
    %get3A_7 = arith.constant 0 : index
    %get3A_8 = vector.load %arg3[%get3A_6, %get3A_7] : memref<1x64xf32, #tpu.memory_space<vmem>>, vector<1x64xf32>
    %add3A = vector.broadcast %get3A_8 : vector<1x64xf32> to vector<8192x64xf32>
    %add3A_9 = arith.addf %dot_general3A_5, %add3A : vector<8192x64xf32>
    %neg3A = arith.constant 0.000000e+00 : f32
    %neg3A_10 = vector.broadcast %neg3A : f32 to vector<8192x64xf32>
    %neg3A_11 = arith.subf %neg3A_10, %add3A_9 : vector<8192x64xf32>
    %exp3A = math.exp %neg3A_11 : vector<8192x64xf32>
    %add3A_12 = arith.constant 1.000000e+00 : f32
    %add3A_13 = vector.broadcast %add3A_12 : f32 to vector<8192x64xf32>
    %add3A_14 = arith.addf %add3A_13, %exp3A : vector<8192x64xf32>
    %div3A = arith.constant 1.000000e+00 : f32
    %div3A_15 = vector.broadcast %div3A : f32 to vector<8192x64xf32>
    %div3A_16 = arith.divf %div3A_15, %add3A_14 : vector<8192x64xf32>
    %mul3A = arith.mulf %add3A_9, %div3A_16 : vector<8192x64xf32>
    %get3A_17 = arith.constant 0 : index
    %get3A_18 = arith.constant 0 : index
    %get3A_19 = vector.load %arg4[%get3A_17, %get3A_18] : memref<1x64xf32, #tpu.memory_space<vmem>>, vector<1x64xf32>
    %dot_general3A_20 = arith.constant dense<0.000000e+00> : vector<1x8192xf32>
    %dot_general3A_21 = tpu.matmul %get3A_19, %mul3A, %dot_general3A_20 {dimension_numbers = #tpu.dot_dimension_numbers<[1], [1], [0], [0], [0, 0, 1, 0], [], []>, transpose_lhs_hint = false} : vector<1x64xf32>, vector<8192x64xf32>, vector<1x8192xf32> -> vector<1x8192xf32>
    %get3A_22 = arith.constant 0 : index
    %get3A_23 = arith.constant 0 : index
    %get3A_24 = vector.load %arg5[%get3A_22, %get3A_23] : memref<1x1xf32, #tpu.memory_space<vmem>>, vector<1x1xf32>
    %add3A_25 = vector.broadcast %get3A_24 : vector<1x1xf32> to vector<1x8192xf32>
    %add3A_26 = arith.addf %dot_general3A_21, %add3A_25 : vector<1x8192xf32>
    %mul3A_27 = arith.constant 8192 : i32
    %mul3A_28 = arith.muli %arg0, %mul3A_27 : i32
    %iota3A = tpu.iota {dimensions = array<i32: 1>} : vector<1x8192xi32>
    %add3A_29 = vector.broadcast %mul3A_28 : i32 to vector<1x8192xi32>
    %add3A_30 = arith.addi %add3A_29, %iota3A : vector<1x8192xi32>
    %lt3A = arith.constant 320000 : i32
    %lt3A_31 = vector.broadcast %lt3A : i32 to vector<1x8192xi32>
    %lt3A_32 = arith.cmpi slt, %add3A_30, %lt3A_31 : vector<1x8192xi32>
    %jit3A = arith.constant 0.000000e+00 : f32
    %broadcast_in_dim3A = vector.broadcast %jit3A : f32 to vector<1x8192xf32>
    %select_n3A = arith.select %lt3A_32, %add3A_26, %broadcast_in_dim3A : vector<1x8192xi1>, vector<1x8192xf32>
    %reshape3A = vector.shape_cast %select_n3A : vector<1x8192xf32> to vector<8192xf32>
    %swap3A = arith.constant 0 : index
    %swap3A_33 = vector.load %arg6[%swap3A] : memref<8192xf32, #tpu.memory_space<vmem>>, vector<8192xf32>
    tpu.vector_store %arg6[%swap3A], %reshape3A {strides = array<i32>} : memref<8192xf32, #tpu.memory_space<vmem>>, vector<8192xf32>,
    return
  }
  func.func @transform_0(%arg0: i32) -> (i32, i32) {
    %c0_i32 = arith.constant 0 : i32
    %c0_i32_0 = arith.constant 0 : i32
    return %arg0, %c0_i32 : i32, i32
  }
  func.func @transform_1(%arg0: i32) -> (i32, i32) {
    %c0_i32 = arith.constant 0 : i32
    %c0_i32_0 = arith.constant 0 : i32
    %c0_i32_1 = arith.constant 0 : i32
    return %c0_i32, %c0_i32_0 : i32, i32
  }
  func.func @transform_2(%arg0: i32) -> (i32, i32) {
    %c0_i32 = arith.constant 0 : i32
    %c0_i32_0 = arith.constant 0 : i32
    %c0_i32_1 = arith.constant 0 : i32
    return %c0_i32, %c0_i32_0 : i32, i32
  }
  func.func @transform_3(%arg0: i32) -> (i32, i32) {
    %c0_i32 = arith.constant 0 : i32
    %c0_i32_0 = arith.constant 0 : i32
    %c0_i32_1 = arith.constant 0 : i32
    return %c0_i32, %c0_i32_0 : i32, i32
  }
  func.func @transform_4(%arg0: i32) -> (i32, i32) {
    %c0_i32 = arith.constant 0 : i32
    %c0_i32_0 = arith.constant 0 : i32
    %c0_i32_1 = arith.constant 0 : i32
    return %c0_i32, %c0_i32_0 : i32, i32
  }
  func.func @transform_5(%arg0: i32) -> i32 {
    %c0_i32 = arith.constant 0 : i32
    return %arg0 : i32
  }
}

</mosaic_0001>

<sc_bundles>
// kernel: kernel.4.cloned.1.call-start
scs
__scs_entry_jumppad:
0x0: {  	(pc) =	sbr.rel $0x88, $3  }
0x1: {  	(tag) =	ssettag $0x0;
	lr =	simm.s32 $0x1  }
0x2: {  	[smem:$0x3F9B] =	sst lr;
	_ =	strace $0xD0000000  }
0x3: {  	_ = 	snop  }
0x4: {  	_ = 	snop  }
0x5: {  	_ = 	snop  }
0x6: {  	_ = 	snop  }
0x7: {  	_ = 	snop  }
__scs_overlays_trampoline_lowered:
0x8: {  	[smem:$0x3FAA] =	sst s0  }
0x9: {  	[smem:$0x3FAB] =	sst s1  }
0xa: {  	[smem:$0x3FAC] =	sst s2  }
0xb: {  	[smem:$0x3FAD] =	sst s3  }
0xc: {  	[smem:$0x3FAE] =	sst s4  }
0xd: {  	[smem:$0x3FAF] =	sst s5  }
0xe: {  	[smem:$0x3FB0] =	sst s6  }
0xf: {  	[smem:$0x3FB1] =	sst s7  }
0x10: {  	[smem:$0x3FB2] =	sst s8  }
0x11: {  	[smem:$0x3FB3] =	sst s9;
	s0 =	simm.s32 @!p0 $0x0  }
0x12: {  	s1 =	sld [smem:$0x3F99];
	s0 =	simm.s32 @p0 $0x1  }
0x13: {  	[smem:$0x3FB4] =	sst s0;
	s0 =	simm.s32 @!p1 $0x0  }
0x14: {  	s2 =	sld [smem:$0x3F98];
	s0 =	simm.s32 @p1 $0x1  }
0x15: {  	[smem:$0x3FB5] =	sst s0;
	s0 =	simm.s32 @!p2 $0x0  }
0x16: {  	s3 =	sld [smem:$0x3FDB];
	s0 =	simm.s32 @p2 $0x1  }
0x17: {  	s4 =	simm.s32 $0x1BF5;
	[smem:$0x3FB7] =	sst s0  }
0x18: {  	s0 =	sld [smem:$0x3F9A];
	_ =	swait.ge [sflag:s4], $0x0  }
0x19: {  	s7 =	sld [smem:$0x3F9B]  }
0x1a: {  	s8 =	sadd.s32 $0xFFFFE003, lr  }
0x1b: {  	s9 =	sadd.s32 $0xFFFFFEF7, lr;
	s5 =	simm.s32 $0xFFFFFFFF;
	p2 =	slt.u32 s8, $0xFFFFF086  }
0x1c: {  	p1 =	slt.u32 s9, $0xF7A;
	s5 =	simm.s32 @!p2 $0x0  }
0x1d: {  	s5 =	simm.s32 @p1 $0x1;
	p0 =	seq.s32 s7, s2  }
0x1e: {  	s7 =	smul.u32 @!p0 $0xF7A, s2;
	p2 =	seq.s32 @!p0 s5, $0x0  }
0x1f: {  	s9 =	smul.u32 $0xF7A, s1;
	s8 =	simm.s32 @!p0 $0x1BF5;
	p2 =	por !p2, p0  }
0x20: {  	[sflag:s8] =	ssyncset.s32 @!p0 $0xFFFFF086;
	s6 =	sadd.s32 @!p0 s3, s7;
	s7 =	simm.s32 @!p0 $0x108  }
0x21: {  	s3 =	sadd.s32 s3, s9;
	s6 =	sadd.s32 @!p0 $0x88, s6;
	s7 =	simm.s32 @p2 $0x1082  }
0x22: {  	[simem:s7], [sflag:s8] =	dma.local @!p0 [hbm:s6], $0xF7A  }
0x23: {  	s9 =	sor.u32 $0xD0000000, s2;
	s6 =	simm.s32 $0x108;
	_ =	swait.ge @!p0 [sflag:s8], $0x0  }
0x24: {  	s3 =	sadd.s32 $0x88, s3;
	s6 =	simm.s32 @!p1 $0x1082;
	[sflag:s4] =	ssyncset.s32 $0xFFFFF086  }
0x25: {  	[simem:s6], [sflag:s4] =	dma.local [hbm:s3], $0xF7A  }
0x26: {  	[smem:$0x3F9B] =	sst s1;
	(tag) =	ssettag s2;
	_ =	strace s9  }
0x27: {  	s1 =	sld [smem:$0x3FAB]  }
0x28: {  	s2 =	sld [smem:$0x3FAC]  }
0x29: {  	s4 =	sld [smem:$0x3FAE]  }
0x2a: {  	p0 =	seq.s32 s5, $0x0;
	s5 =	sld [smem:$0x3FAF]  }
0x2b: {  	s6 =	sld [smem:$0x3FB0]  }
0x2c: {  	s7 =	sld [smem:$0x3FB1]  }
0x2d: {  	s3 =	simm.s32 $0x108;
	s8 =	sld [smem:$0x3FB2]  }
0x2e: {  	s3 =	simm.s32 @!p0 $0x1082;
	s9 =	sld [smem:$0x3FB3]  }
0x2f: {  	lr =	sadd.s32 s0, s3;
	s0 =	sld [smem:$0x3FAA]  }
0x30: {  	s3 =	sld [smem:$0x3FAD]  }
0x31: {  	[smem:$0x3FB6] =	sst s10  }
0x32: {  	s10 =	sld [smem:$0x3FB4];
	_ =	sdelay $0x3  }
0x33: {  	p0 =	seq.s32 s10, $0x1;
	s10 =	sld [smem:$0x3FB6];
	_ =	sdelay $0x3  }
0x34: {  	[smem:$0x3FB6] =	sst s10  }
0x35: {  	s10 =	sld [smem:$0x3FB5];
	_ =	sdelay $0x3  }
0x36: {  	p1 =	seq.s32 s10, $0x1;
	s10 =	sld [smem:$0x3FB6];
	_ =	sdelay $0x3  }
0x37: {  	[smem:$0x3FB6] =	sst s10  }
0x38: {  	s10 =	sld [smem:$0x3FB7]  }
0x39: {  	_ = 	snop;
	(pc) =	sbr.ind lr, $3  }
0x3a: {  	_ = 	snop  }
0x3b: {  	_ = 	snop  }
0x3c: {  	p2 =	seq.s32 s10, $0x1;
	s10 =	sld [smem:$0x3FB6]  }
0x3d: {  	_ =	shalt  }
0x3e: {  	_ =	shalt  }
0x3f: {  	_ =	shalt  }
0x40: {  	_ =	shalt  }
0x41: {  	_ =	shalt  }
0x42: {  	_ =	shalt  }
0x43: {  	_ =	shalt  }
0x44: {  	_ =	shalt  }
0x45: {  	_ =	shalt  }
0x46: {  	_ =	shalt  }
0x47: {  	_ =	shalt  }
0x48: {  	_ =	shalt  }
0x49: {  	_ =	shalt  }
0x4a: {  	_ =	shalt  }
0x4b: {  	_ =	shalt  }
0x4c: {  	_ =	shalt  }
0x4d: {  	_ =	shalt  }
0x4e: {  	_ =	shalt  }
0x4f: {  	_ =	shalt  }
0x50: {  	_ =	shalt  }
0x51: {  	_ =	shalt  }
0x52: {  	_ =	shalt  }
0x53: {  	_ =	shalt  }
0x54: {  	_ =	shalt  }
0x55: {  	_ =	shalt  }
0x56: {  	_ =	shalt  }
0x57: {  	_ =	shalt  }
0x58: {  	_ =	shalt  }
0x59: {  	_ =	shalt  }
0x5a: {  	_ =	shalt  }
0x5b: {  	_ =	shalt  }
0x5c: {  	_ =	shalt  }
0x5d: {  	_ =	shalt  }
0x5e: {  	_ =	shalt  }
0x5f: {  	_ =	shalt  }
0x60: {  	_ =	shalt  }
0x61: {  	_ =	shalt  }
0x62: {  	_ =	shalt  }
0x63: {  	_ =	shalt  }
0x64: {  	_ =	shalt  }
0x65: {  	_ =	shalt  }
0x66: {  	_ =	shalt  }
0x67: {  	_ =	shalt  }
0x68: {  	_ =	shalt  }
0x69: {  	_ =	shalt  }
0x6a: {  	_ =	shalt  }
0x6b: {  	_ =	shalt  }
0x6c: {  	_ =	shalt  }
0x6d: {  	_ =	shalt  }
0x6e: {  	_ =	shalt  }
0x6f: {  	_ =	shalt  }
0x70: {  	_ =	shalt  }
0x71: {  	_ =	shalt  }
0x72: {  	_ =	shalt  }
0x73: {  	_ =	shalt  }
0x74: {  	_ =	shalt  }
0x75: {  	_ =	shalt  }
0x76: {  	_ =	shalt  }
0x77: {  	_ =	shalt  }
0x78: {  	_ =	shalt  }
0x79: {  	_ =	shalt  }
0x7a: {  	_ =	shalt  }
0x7b: {  	_ =	shalt  }
0x7c: {  	_ =	shalt  }
0x7d: {  	_ =	shalt  }
0x7e: {  	_ =	shalt  }
0x7f: {  	_ =	shalt  }
0x80: {  	_ =	shalt  }
0x81: {  	_ =	shalt  }
0x82: {  	_ =	shalt  }
0x83: {  	_ =	shalt  }
0x84: {  	_ =	shalt  }
0x85: {  	_ =	shalt  }
0x86: {  	_ =	shalt  }
0x87: {  	_ =	shalt  }
.Lfunc_end0:
.L_simem_size_0:
called_computation_lowered:
.L_overlay_start_0:
0x88: {  	s0 =	sld [smem:$0x3FD9]  }
0x89: {  	s1 =	sld [smem:$0x3FFE];
	_ =	sdelay $0x3  }
0x8a: {  	s0 =	sadd.s32 s1, s0  }
0x8b: {  	[smem:$0x3FC2] =	sst s0  }
0x8c: {  	_ = 	snop  }
0x8d: {  	s0 =	sld [smem:$0x3FC8]  }
0x8e: {  	s16 =	sld [smem:$0x3FD0];
	(tm) =	ssettm $0x1  }
0x8f: {  	s2 =	sld [smem:$0x3FFB];
	_ =	sdelay $0x3  }
0x90: {  	_ =	strace s2  }
0x91: {  	s2 =	sld [smem:$0x3FFC];
	_ =	sdelay $0x3  }
0x92: {  	_ =	strace s2  }
0x93: {  	s2 =	sld [smem:$0x3FFD];
	_ =	sdelay $0x3  }
0x94: {  	_ =	strace s2  }
0x95: {  	_ =	strace $0x8FFFFFFF  }
0x96: {  	s17 =	sld [smem:$0x3FDB];
	_ =	sdelay $0x1  }
0x97: {  	s3 =	simm.s32 $_scs_section_size  }
0x98: {  	s4 =	simm.s32 $_size__tile_overlayer_lowered;
	s5 =	simm.s32 $_tile_overlayer_lowered  }
0x99: {  	s20 =	simm.s32 $0x1BFF;
	s19 =	sshll.u32 s5, $0x1;
	s2 =	sadd.s32 s3, s17  }
0x9a: {  	s6 =	simm.s32 $0x0;
	s18 =	sshll.u32 s4, $0x1;
	s4 =	sadd.s32 s19, s2  }
0x9b: {  	[timem:s6], [sflag:s20] =	dma.local [hbm:s4], s18  }
0x9c: {  	_ =	swait.ge [sflag:s20], s18  }
0x9d: {  	s3 =	ssub.s32 $0x0, s18;
	[sflag:s20] =	ssyncset.done $0x0  }
0x9e: {  	[sflag:s20] =	ssyncadd.s32 s3;
	_ =	sdelay $0x1  }
0x9f: {  	s21 =	simm.s32 $0x1B8B  }
0xa0: {  	_ =	swait.ge [sflag:s21], $0x1  }
0xa1: {  	[sflag:s21] =	ssyncset.done $0x0  }
0xa2: {  	s23 =	simm.s32 $0x1B8E;
	s22 =	sld [smem:$0x3FFE];
	[sflag:s21] =	ssyncadd.s32 $0xFFFFFFFF  }
0xa3: {  	s24 =	simm.s32 $execute0_lowered;
	[smem:$0x3FD2] =	sst s23  }
0xa4: {  	s4 =	sshll.u32 s24, $0x1;
	_ =	strace $0x80000046;
	[dreg:$0x1] =	wrdreg $0xFFFFFFFF  }
0xa5: {  	s25 =	simm.s32 $_size_execute0_lowered;
	s2 =	sadd.s32 s2, s4;
	[dreg:$0x0] =	wrdreg $0x0  }
0xa6: {  	s4 =	sshll.u32 s25, $0x1;
	[dreg:$0x2] =	wrdreg s2  }
0xa7: {  	[dreg:$0x3] =	wrdreg s4  }
0xa8: {  	[dreg:$0x4] =	wrdreg $0xC0  }
0xa9: {  	_ =	task [dreg:s6], $0x5FFFF  }
0xaa: {  	[dreg:$0x1] =	wrdreg $0xFFFFFFFF  }
0xab: {  	[dreg:$0x0] =	wrdreg $0x60  }
0xac: {  	[dreg:$0x2] =	wrdreg s0  }
0xad: {  	[dreg:$0x3] =	wrdreg s22  }
0xae: {  	[dreg:$0x4] =	wrdreg s16  }
0xaf: {  	[dreg:$0x5] =	wrdreg $0x9F800  }
0xb0: {  	[dreg:$0x6] =	wrdreg $0x9  }
0xb1: {  	_ =	task.clear_ibuf [dreg:s6], $0x7FFFF;
	_ =	strace $0x90000046  }
0xb2: {  	s26 =	simm.s32 $0x9;
	_ =	strace $0x80000048  }
0xb3: {  	_ =	swait.ge [sflag:s26], $0x1  }
0xb4: {  	[sflag:s26] =	ssyncadd.s32 $0xFFFFFFFF  }
0xb5: {  	_ =	strace $0x90000048  }
0xb6: {  	_ =	sfence  }
0xb7: {  	s28 =	sld [smem:$0x0];
	_ =	sdelay $0x1  }
0xb8: {  	s29 =	srdreg.scid  }
0xb9: {  	s30 =	sshll.u32 s29, $0xD;
	s31 =	sshrl.u32 s29, $0x2  }
0xba: {  	s1 =	sand.u32 $0x1, s29;
	s2 =	sand.u32 $0x4000, s30;
	s0 =	sadd.s32 s31, s28  }
0xbb: {  	s1 =	sor.u32 s2, s1;
	s0 =	sshll.u32 s0, $0x11  }
0xbc: {  	s0 =	sor.u32 s0, s1  }
0xbd: {  	s0 =	sadd.s32 $0x8F2B, s0  }
0xbe: {  	[sflag:s0] =	ssyncadd.remote.s32 $0x1  }
0xbf: {  	_ =	sfence.sel $0xFFFF  }
0xc0: {  	[dreg:$0x0] =	wrdreg $0xFFFFFFFF;
	(pc) =	sbr.abs _section_cstart, $3  }
0xc1: {  	[dreg:$0x1] =	wrdreg $0xFFFFFFFF  }
0xc2: {  	_ =	task.clear_ibuf [dreg:s6], $0x2FFFF;
	_ =	strace $0x9FFFFFFF  }
0xc3: {  	(tm) =	ssettm $0x7FFFFFFF  }
tec
execute0_lowered:
.L_overlay_start_1:
0x0: {  	(tag) =	ssettag $0x1  }
0x1: {  	s4 =	rddreg [dreg:$0x0]  }
0x2: {  	s5 =	rddreg [dreg:$0x1]  }
0x3: {  	s1 =	rddreg [dreg:$0x2]  }
0x4: {  	s2 =	rddreg [dreg:$0x3];
	s3 =	simm.s32 $0x0  }
0x5: {  	v0 =	vimm.f32 $0.0e+00;
	[smem:$0x7FF] =	sst s3  }
0x6: {  	s0 =	rddreg [dreg:$0x4];
	_ =	strace $0x80000047;
	[tilespmem:$0x9D00] =	vst v0  }
0x7: {  	[tilespmem:$0x9D10] =	vst v0  }
0x8: {  	[tilespmem:$0x9D20] =	vst v0  }
0x9: {  	[tilespmem:$0x9D30] =	vst v0  }
0xa: {  	[tilespmem:$0x9D40] =	vst v0  }
0xb: {  	[tilespmem:$0x9D50] =	vst v0  }
0xc: {  	[tilespmem:$0x9D60] =	vst v0  }
0xd: {  	[tilespmem:$0x9D70] =	vst v0  }
0xe: {  	[tilespmem:$0x9D80] =	vst v0  }
0xf: {  	[tilespmem:$0x9D90] =	vst v0  }
0x10: {  	[tilespmem:$0x9DA0] =	vst v0  }
0x11: {  	[tilespmem:$0x9DB0] =	vst v0  }
0x12: {  	[tilespmem:$0x9DC0] =	vst v0  }
0x13: {  	[tilespmem:$0x9DD0] =	vst v0  }
0x14: {  	[tilespmem:$0x9DE0] =	vst v0  }
0x15: {  	[tilespmem:$0x9DF0] =	vst v0  }
0x16: {  	[tilespmem:$0x9E00] =	vst v0  }
0x17: {  	[tilespmem:$0x9E10] =	vst v0  }
0x18: {  	[tilespmem:$0x9E20] =	vst v0  }
0x19: {  	[tilespmem:$0x9E30] =	vst v0  }
0x1a: {  	[tilespmem:$0x9E40] =	vst v0  }
0x1b: {  	[tilespmem:$0x9E50] =	vst v0  }
0x1c: {  	[tilespmem:$0x9E60] =	vst v0  }
0x1d: {  	[tilespmem:$0x9E70] =	vst v0  }
0x1e: {  	[tilespmem:$0x9E80] =	vst v0  }
0x1f: {  	[tilespmem:$0x9E90] =	vst v0  }
0x20: {  	[tilespmem:$0x9EA0] =	vst v0  }
0x21: {  	[tilespmem:$0x9EB0] =	vst v0  }
0x22: {  	[tilespmem:$0x9EC0] =	vst v0  }
0x23: {  	[tilespmem:$0x9ED0] =	vst v0  }
0x24: {  	[tilespmem:$0x9EE0] =	vst v0  }
0x25: {  	[tilespmem:$0x9EF0] =	vst v0  }
0x26: {  	[tilespmem:$0x9F00] =	vst v0  }
0x27: {  	[tilespmem:$0x9F10] =	vst v0  }
0x28: {  	[tilespmem:$0x9F20] =	vst v0  }
0x29: {  	[tilespmem:$0x9F30] =	vst v0  }
0x2a: {  	s6 =	stileid.u32;
	[tilespmem:$0x9F40] =	vst v0  }
0x2b: {  	s7 =	smul.u32 $0x280, s6;
	[tilespmem:$0x9F50] =	vst v0  }
0x2c: {  	[tilespmem:$0x9F60] =	vst v0  }
0x2d: {  	s9 =	simm.s32 $0x9D00;
	s23 =	simm.s32 $0x2;
	[tilespmem:$0x9F70] =	vst v0;
	s8 =	sadd.s32 s7, s2  }
0x2e: {  	[spmem:s8] =	stream.linear.scatter [tilespmem:s9], [sflag:$0x2], $0x280, $0x38;
	[tilespmem:$0xA200] =	vst v63  }
0x2f: {  	s10 =	smul.u32 $0x9C4, s6;
	_ =	swait.ge [sflag:s23], $0x280  }
0x30: {  	[sflag:s23] =	ssyncset.done $0x0  }
0x31: {  	s4 =	sadd.s32 s4, s10;
	[sflag:s23] =	ssyncadd.s32 $0xFFFFFD80  }
0x32: {  	[tilespmem:s3], [sflag:$0x2] =	stream.linear.gather [hbm4b:s4+s3], $0x4E20, $0x38;
	[tilespmem:$0xA200] =	vst v63  }
0x33: {  	_ =	swait.ge [sflag:s23], $0x4E20  }
0x34: {  	s24 =	sadd.s32 s10, s5;
	[sflag:s23] =	ssyncset.done $0x0  }
0x35: {  	s25 =	simm.s32 $0x4E80;
	s4 =	sadd.s32 $0xA00, s24;
	[sflag:s23] =	ssyncadd.s32 $0xFFFFB1E0  }
0x36: {  	[tilespmem:s25], [sflag:$0x2] =	stream.linear.gather [hbm4b:s4+s3], $0x4E20, $0x38;
	[tilespmem:$0xA200] =	vst v63  }
0x37: {  	_ =	swait.ge [sflag:s23], $0x4E20  }
0x38: {  	[sflag:s23] =	ssyncset.done $0x0  }
0x39: {  	[sflag:s23] =	ssyncadd.s32 $0xFFFFB1E0  }
0x3a: {  	s26 =	simm.s32 $0x4E20;
	s28 =	simm.s32 $0x1;
	[bflag:$0x0] =	sbarrier.arrive $0xFFFF  }
0x3b: {  	[spmem:s2] =	stream.indirect.scatter.add.f32 [tilespmem:s25], [sflag:$0x1], $0x1, s3, s26, $0xb8;
	[tilespmem:$0xA200] =	vst v63  }
0x3c: {  	_ =	swait.ge [sflag:s28], $0x4E20  }
0x3d: {  	s29 =	sshrl.u32 s7, $0x3;
	[sflag:s28] =	ssyncset.done $0x0  }
0x3e: {  	s30 =	sshll.u32 s6, $0x6;
	s1 =	sadd.s32 s1, s29;
	[sflag:s28] =	ssyncadd.s32 $0xFFFFB1E0  }
0x3f: {  	s31 =	sshrl.u32 s8, $0x3;
	s2 =	sor.u32 $0x1C02, s30;
	[bflag:$0x0] =	sbarrier.arrive $0xFFFF  }
0x40: {  	[hbm:s1], [sflag:s2] =	dma.local [spmem:s31], $0x50  }
0x41: {  	_ =	swait.ge [sflag:s23], $0x50  }
0x42: {  	[sflag:s23] =	ssyncset.done $0x0  }
0x43: {  	[sflag:s23] =	ssyncadd.s32 $0xFFFFFFB0  }
0x44: {  	_ =	sfence.sel $0x180000  }
0x45: {  	[bflag:$0x0] =	sbarrier.arrive $0xFFFF  }
0x46: {  	p0 =	sne.s32 s6, $0x0;
	_ =	strace $0x90000047  }
0x47: {  	s0 =	sadd.s32 @!p0 $0x100000, s0;
	[bflag:$0x2] =	sbarrier.arrive $0xFFFF  }
0x48: {  	[sflag:s0] =	ssyncadd.tile.s32 @!p0 $0x1;
	_ =	shalt  }
.Lfunc_end2:
_tile_overlayer_lowered:
.L_overlay_start_2:
0x49: {  	(tag) =	ssettag $0x2  }
0x4a: {  	s0 =	rddreg [dreg:$0x0];
	s2 =	stileid.u32  }
0x4b: {  	s1 =	rddreg [dreg:$0x1];
	p0 =	sne.s32 s2, $0x0  }
0x4c: {  	s3 =	rddreg [dreg:$0x2];
	[bflag:$0x3] =	sbarrier.arrive $0xFFFF;
	s2 =	simm.s32 @!p0 $0x1C02  }
0x4d: {  	[timem:s3], [sflag:s2] =	dma.local @!p0 [hbm:s0], s1  }
0x4e: {  	s0 =	simm.s32 @!p0 $0x2  }
0x4f: {  	_ =	swait.ge @!p0 [sflag:s0], s1  }
0x50: {  	s1 =	ssub.s32 @!p0 $0x0, s1;
	[sflag:s0] =	ssyncset.done @!p0 $0x0  }
0x51: {  	[sflag:s0] =	ssyncadd.s32 @!p0 s1  }
0x52: {  	[bflag:$0x3] =	sbarrier.arrive $0xFFFF  }
0x53: {  	_ =	shalt  }

</sc_bundles>
